<compile_context>
chip_gen: v7x
topology: tpu7x:2x2x1
jax: 0.10.2.dev20260603
libtpu: 0.0.44.dev20260713+nightly
codegen_flags: <defaults>
</compile_context>

<pallas_src>
import functools

import jax
import jax.numpy as jnp
from jax import lax
from jax.experimental import pallas as pl
from jax.experimental.pallas import tpu as pltpu
from jax.experimental.pallas import tpu_sc as plsc

_B = 16384
_F = 26
_V = 32
_NW = 32
_ROWS = _B // _NW
_CHUNK = _ROWS * _F
_L = 16
_JSTEPS = _ROWS // _L


@functools.cache
def _build_sc_kernel():
    mesh = plsc.VectorSubcoreMesh(core_axis_name="c", subcore_axis_name="s")

    @functools.partial(
        pl.kernel,
        mesh=mesh,
        out_type=jax.ShapeDtypeStruct((_B,), jnp.float32),
        compiler_params=pltpu.CompilerParams(
            needs_layout_passes=False,
            disable_bounds_checks=True,
            disable_semaphore_checks=True,
            skip_device_barrier=True,
        ),
        scratch_types=[
            pltpu.VMEM((_ROWS, _F), jnp.int32),
            pltpu.VMEM((_F * _V,), jnp.float32),
            pltpu.VMEM((_ROWS,), jnp.float32),
        ],
    )
    def sc_embed_sum(x_hbm, tbl_hbm, out_hbm, x_v, tbl_v, out_v):
        wid = lax.axis_index("s") * 2 + lax.axis_index("c")
        pltpu.sync_copy(x_hbm.at[pl.ds(wid * _ROWS, _ROWS)], x_v)
        pltpu.sync_copy(tbl_hbm, tbl_v)
        lane = lax.iota(jnp.int32, 16)

        def body(j, carry):
            rvec = j * _L + lane
            acc = jnp.zeros((_L,), jnp.float32)
            for f in range(_F):
                fvec = jnp.full((_L,), f, jnp.int32)
                xi = plsc.load_gather(x_v, [rvec, fvec])
                acc = acc + plsc.load_gather(tbl_v, [xi + f * _V])
            out_v[pl.ds(j * _L, _L)] = acc
            return carry

        lax.fori_loop(0, _JSTEPS, body, 0)
        pltpu.sync_copy(out_v, out_hbm.at[pl.ds(wid * _ROWS, _ROWS)])

    return sc_embed_sum


def kernel(X, emb_weights, free_term):
    field0 = (jax.lax.iota(jnp.int32, _F) == 0).astype(jnp.float32)
    tbl = (emb_weights[:, :, 0] + free_term[0] * field0[:, None]).reshape(_F * _V)
    return _build_sc_kernel()(X, tbl)

# --- scband reference (transcript-rebuilt; emitter-appended) ---
"""Pipeline reference for scband-embedding-sum-module-31198642438219 (READ-ONLY COPY).

The authoritative reference and input builder live on the scoring server;
editing this copy changes nothing except your own understanding.
"""

import jax, jax.numpy as jnp
import numpy as np

B = 16384
F = 26
V = 32

def setup_inputs(seed: int = 0) -> dict:
    key = jax.random.key(seed)
    k1, k2 = jax.random.split(key)
    X = jax.random.randint(k1, (B, F), 0, V, dtype=jnp.int32)
    # Learned per-field embedding tables, stacked: [F, V, 1]
    # (torch init is zeros; use small random values for a nontrivial reference)
    emb_weights = jax.random.normal(k2, (F, V, 1), dtype=jnp.float32) * 0.01
    free_term = jnp.zeros((1,), dtype=jnp.float32)
    return {"X": X, "emb_weights": emb_weights, "free_term": free_term}

def reference(X, emb_weights, free_term):
    # result = free_term.expand(B) + sum_i emb_i(X[:, i]).flatten()
    Bn = X.shape[0]
    Fn = X.shape[1]
    vals = emb_weights[:, :, 0]                      # [F, V]
    gathered = vals[jnp.arange(Fn)[None, :], X]      # [B, F] per-field gather
    result = jnp.broadcast_to(free_term, (Bn,)) + gathered.sum(axis=1)
    return result

if __name__ == "__main__":
    import jax
    _d = setup_inputs()
    print(jax.jit(kernel)(*tuple(_d.values())))

</pallas_src>

<mosaic_0001>
#map = affine_map<(d0, d1) -> (0, 0)>
#map1 = affine_map<(d0, d1) -> (0)>
module attributes {stable_mosaic.version = 14 : i64} {
  func.func @sc_embed_sum(%arg0: i32, %arg1: i32, %arg2: memref<16384x26xi32, #tpu.memory_space<hbm>>, %arg3: memref<832xf32, #tpu.memory_space<hbm>>, %arg4: memref<16384xf32, #tpu.memory_space<hbm>>, %arg5: memref<512x26xi32, #tpu.memory_space<vmem>>, %arg6: memref<832xf32, #tpu.memory_space<vmem>>, %arg7: memref<512xf32, #tpu.memory_space<vmem>>) attributes {dimension_semantics = [#tpu.dimension_semantics<core_parallel>, #tpu.dimension_semantics<subcore_parallel>], iteration_bounds = array<i64: 2, 16>, scalar_prefetch = 0 : i64, scratch_operands = 3 : i64, tpu.core_type = #tpu.core_type<sc_vector_subcore>, window_params = [{transform_indices = #map}, {transform_indices = #map1}, {transform_indices = #map1}]} {
    %mul3A = arith.constant 2 : i32
    %mul3A_0 = arith.muli %arg1, %mul3A : i32
    %add3A = arith.addi %mul3A_0, %arg0 : i32
    %mul3A_1 = arith.constant 512 : i32
    %mul3A_2 = arith.muli %add3A, %mul3A_1 : i32
    "tpu.region"() ({
      %run_scoped3A = tpu.sem_alloc : memref<!tpu.dma_semaphore, #tpu.memory_space<semaphore_mem>>
      %dma_start3A = arith.constant 0 : i32
      %dma_start3A_10 = tpu.memref_slice %arg2[%mul3A_2, %dma_start3A] : memref<16384x26xi32, #tpu.memory_space<hbm>> -> memref<512x26xi32, #tpu.memory_space<hbm>>
      %dma_start3A_11 = arith.constant 0 : i32
      %dma_start3A_12 = tpu.memref_slice %arg2[%mul3A_2, %dma_start3A_11] : memref<16384x26xi32, #tpu.memory_space<hbm>> -> memref<512x26xi32, #tpu.memory_space<hbm>>
      tpu.enqueue_dma source(%dma_start3A_12 : memref<512x26xi32, #tpu.memory_space<hbm>>) target(%arg5 : memref<512x26xi32, #tpu.memory_space<vmem>>) target_semaphore(%run_scoped3A : memref<!tpu.dma_semaphore, #tpu.memory_space<semaphore_mem>>)
      %dma_wait3A = arith.constant 0 : i32
      %dma_wait3A_13 = tpu.memref_slice %arg2[%mul3A_2, %dma_wait3A] : memref<16384x26xi32, #tpu.memory_space<hbm>> -> memref<512x26xi32, #tpu.memory_space<hbm>>
      %dma_wait3A_14 = arith.constant 0 : i32
      %dma_wait3A_15 = tpu.memref_slice %arg2[%mul3A_2, %dma_wait3A_14] : memref<16384x26xi32, #tpu.memory_space<hbm>> -> memref<512x26xi32, #tpu.memory_space<hbm>>
      tpu.wait_dma2 semaphore(%run_scoped3A : memref<!tpu.dma_semaphore, #tpu.memory_space<semaphore_mem>>) src(%dma_wait3A_15 : memref<512x26xi32, #tpu.memory_space<hbm>>) dst(%arg5 : memref<512x26xi32, #tpu.memory_space<vmem>>)
      tpu.yield
    }) : () -> ()
    "tpu.region"() ({
      %run_scoped3A = tpu.sem_alloc : memref<!tpu.dma_semaphore, #tpu.memory_space<semaphore_mem>>
      tpu.enqueue_dma source(%arg3 : memref<832xf32, #tpu.memory_space<hbm>>) target(%arg6 : memref<832xf32, #tpu.memory_space<vmem>>) target_semaphore(%run_scoped3A : memref<!tpu.dma_semaphore, #tpu.memory_space<semaphore_mem>>)
      tpu.wait_dma2 semaphore(%run_scoped3A : memref<!tpu.dma_semaphore, #tpu.memory_space<semaphore_mem>>) src(%arg3 : memref<832xf32, #tpu.memory_space<hbm>>) dst(%arg6 : memref<832xf32, #tpu.memory_space<vmem>>)
      tpu.yield
    }) : () -> ()
    %iota3A = tpu.iota {dimensions = array<i32: 0>} : vector<16xi32>
    %scan3A = arith.constant 0 : i32
    %scan3A_3 = arith.constant 0 : i32
    %scan3A_4 = arith.constant 32 : i32
    %scan3A_5 = arith.addi %scan3A_3, %scan3A_4 : i32
    %scan3A_6 = arith.constant 1 : i32
    scf.for %scan3A_10 = %scan3A_3 to %scan3A_5 step %scan3A_6  : i32 {
      %mul3A_11 = arith.constant 16 : i32
      %mul3A_12 = arith.muli %scan3A_10, %mul3A_11 : i32
      %add3A_13 = vector.broadcast %mul3A_12 : i32 to vector<16xi32>
      %add3A_14 = arith.addi %add3A_13, %iota3A : vector<16xi32>
      %broadcast_in_dim3A = arith.constant 0.000000e+00 : f32
      %broadcast_in_dim3A_15 = vector.broadcast %broadcast_in_dim3A : f32 to vector<16xf32>
      %broadcast_in_dim3A_16 = arith.constant 0 : i32
      %broadcast_in_dim3A_17 = vector.broadcast %broadcast_in_dim3A_16 : i32 to vector<16xi32>
      %gather3A = tpu.vector_load_idx %arg5[%add3A_14, %broadcast_in_dim3A_17] : memref<512x26xi32, #tpu.memory_space<vmem>>[vector<16xi32>, vector<16xi32>], vector<16xi32>,
      %add3A_18 = arith.constant 0 : i32
      %add3A_19 = vector.broadcast %add3A_18 : i32 to vector<16xi32>
      %add3A_20 = arith.addi %gather3A, %add3A_19 : vector<16xi32>
      %gather3A_21 = tpu.vector_load_idx %arg6[%add3A_20] : memref<832xf32, #tpu.memory_space<vmem>>[vector<16xi32>], vector<16xf32>,
      %add3A_22 = arith.addf %broadcast_in_dim3A_15, %gather3A_21 : vector<16xf32>
      %broadcast_in_dim3A_23 = arith.constant 1 : i32
      %broadcast_in_dim3A_24 = vector.broadcast %broadcast_in_dim3A_23 : i32 to vector<16xi32>
      %gather3A_25 = tpu.vector_load_idx %arg5[%add3A_14, %broadcast_in_dim3A_24] : memref<512x26xi32, #tpu.memory_space<vmem>>[vector<16xi32>, vector<16xi32>], vector<16xi32>,
      %add3A_26 = arith.constant 32 : i32
      %add3A_27 = vector.broadcast %add3A_26 : i32 to vector<16xi32>
      %add3A_28 = arith.addi %gather3A_25, %add3A_27 : vector<16xi32>
      %gather3A_29 = tpu.vector_load_idx %arg6[%add3A_28] : memref<832xf32, #tpu.memory_space<vmem>>[vector<16xi32>], vector<16xf32>,
      %add3A_30 = arith.addf %add3A_22, %gather3A_29 : vector<16xf32>
      %broadcast_in_dim3A_31 = arith.constant 2 : i32
      %broadcast_in_dim3A_32 = vector.broadcast %broadcast_in_dim3A_31 : i32 to vector<16xi32>
      %gather3A_33 = tpu.vector_load_idx %arg5[%add3A_14, %broadcast_in_dim3A_32] : memref<512x26xi32, #tpu.memory_space<vmem>>[vector<16xi32>, vector<16xi32>], vector<16xi32>,
      %add3A_34 = arith.constant 64 : i32
      %add3A_35 = vector.broadcast %add3A_34 : i32 to vector<16xi32>
      %add3A_36 = arith.addi %gather3A_33, %add3A_35 : vector<16xi32>
      %gather3A_37 = tpu.vector_load_idx %arg6[%add3A_36] : memref<832xf32, #tpu.memory_space<vmem>>[vector<16xi32>], vector<16xf32>,
      %add3A_38 = arith.addf %add3A_30, %gather3A_37 : vector<16xf32>
      %broadcast_in_dim3A_39 = arith.constant 3 : i32
      %broadcast_in_dim3A_40 = vector.broadcast %broadcast_in_dim3A_39 : i32 to vector<16xi32>
      %gather3A_41 = tpu.vector_load_idx %arg5[%add3A_14, %broadcast_in_dim3A_40] : memref<512x26xi32, #tpu.memory_space<vmem>>[vector<16xi32>, vector<16xi32>], vector<16xi32>,
      %add3A_42 = arith.constant 96 : i32
      %add3A_43 = vector.broadcast %add3A_42 : i32 to vector<16xi32>
      %add3A_44 = arith.addi %gather3A_41, %add3A_43 : vector<16xi32>
      %gather3A_45 = tpu.vector_load_idx %arg6[%add3A_44] : memref<832xf32, #tpu.memory_space<vmem>>[vector<16xi32>], vector<16xf32>,
      %add3A_46 = arith.addf %add3A_38, %gather3A_45 : vector<16xf32>
      %broadcast_in_dim3A_47 = arith.constant 4 : i32
      %broadcast_in_dim3A_48 = vector.broadcast %broadcast_in_dim3A_47 : i32 to vector<16xi32>
      %gather3A_49 = tpu.vector_load_idx %arg5[%add3A_14, %broadcast_in_dim3A_48] : memref<512x26xi32, #tpu.memory_space<vmem>>[vector<16xi32>, vector<16xi32>], vector<16xi32>,
      %add3A_50 = arith.constant 128 : i32
      %add3A_51 = vector.broadcast %add3A_50 : i32 to vector<16xi32>
      %add3A_52 = arith.addi %gather3A_49, %add3A_51 : vector<16xi32>
      %gather3A_53 = tpu.vector_load_idx %arg6[%add3A_52] : memref<832xf32, #tpu.memory_space<vmem>>[vector<16xi32>], vector<16xf32>,
      %add3A_54 = arith.addf %add3A_46, %gather3A_53 : vector<16xf32>
      %broadcast_in_dim3A_55 = arith.constant 5 : i32
      %broadcast_in_dim3A_56 = vector.broadcast %broadcast_in_dim3A_55 : i32 to vector<16xi32>
      %gather3A_57 = tpu.vector_load_idx %arg5[%add3A_14, %broadcast_in_dim3A_56] : memref<512x26xi32, #tpu.memory_space<vmem>>[vector<16xi32>, vector<16xi32>], vector<16xi32>,
      %add3A_58 = arith.constant 160 : i32
      %add3A_59 = vector.broadcast %add3A_58 : i32 to vector<16xi32>
      %add3A_60 = arith.addi %gather3A_57, %add3A_59 : vector<16xi32>
      %gather3A_61 = tpu.vector_load_idx %arg6[%add3A_60] : memref<832xf32, #tpu.memory_space<vmem>>[vector<16xi32>], vector<16xf32>,
      %add3A_62 = arith.addf %add3A_54, %gather3A_61 : vector<16xf32>
      %broadcast_in_dim3A_63 = arith.constant 6 : i32
      %broadcast_in_dim3A_64 = vector.broadcast %broadcast_in_dim3A_63 : i32 to vector<16xi32>
      %gather3A_65 = tpu.vector_load_idx %arg5[%add3A_14, %broadcast_in_dim3A_64] : memref<512x26xi32, #tpu.memory_space<vmem>>[vector<16xi32>, vector<16xi32>], vector<16xi32>,
      %add3A_66 = arith.constant 192 : i32
      %add3A_67 = vector.broadcast %add3A_66 : i32 to vector<16xi32>
      %add3A_68 = arith.addi %gather3A_65, %add3A_67 : vector<16xi32>
      %gather3A_69 = tpu.vector_load_idx %arg6[%add3A_68] : memref<832xf32, #tpu.memory_space<vmem>>[vector<16xi32>], vector<16xf32>,
      %add3A_70 = arith.addf %add3A_62, %gather3A_69 : vector<16xf32>
      %broadcast_in_dim3A_71 = arith.constant 7 : i32
      %broadcast_in_dim3A_72 = vector.broadcast %broadcast_in_dim3A_71 : i32 to vector<16xi32>
      %gather3A_73 = tpu.vector_load_idx %arg5[%add3A_14, %broadcast_in_dim3A_72] : memref<512x26xi32, #tpu.memory_space<vmem>>[vector<16xi32>, vector<16xi32>], vector<16xi32>,
      %add3A_74 = arith.constant 224 : i32
      %add3A_75 = vector.broadcast %add3A_74 : i32 to vector<16xi32>
      %add3A_76 = arith.addi %gather3A_73, %add3A_75 : vector<16xi32>
      %gather3A_77 = tpu.vector_load_idx %arg6[%add3A_76] : memref<832xf32, #tpu.memory_space<vmem>>[vector<16xi32>], vector<16xf32>,
      %add3A_78 = arith.addf %add3A_70, %gather3A_77 : vector<16xf32>
      %broadcast_in_dim3A_79 = arith.constant 8 : i32
      %broadcast_in_dim3A_80 = vector.broadcast %broadcast_in_dim3A_79 : i32 to vector<16xi32>
      %gather3A_81 = tpu.vector_load_idx %arg5[%add3A_14, %broadcast_in_dim3A_80] : memref<512x26xi32, #tpu.memory_space<vmem>>[vector<16xi32>, vector<16xi32>], vector<16xi32>,
      %add3A_82 = arith.constant 256 : i32
      %add3A_83 = vector.broadcast %add3A_82 : i32 to vector<16xi32>
      %add3A_84 = arith.addi %gather3A_81, %add3A_83 : vector<16xi32>
      %gather3A_85 = tpu.vector_load_idx %arg6[%add3A_84] : memref<832xf32, #tpu.memory_space<vmem>>[vector<16xi32>], vector<16xf32>,
      %add3A_86 = arith.addf %add3A_78, %gather3A_85 : vector<16xf32>
      %broadcast_in_dim3A_87 = arith.constant 9 : i32
      %broadcast_in_dim3A_88 = vector.broadcast %broadcast_in_dim3A_87 : i32 to vector<16xi32>
      %gather3A_89 = tpu.vector_load_idx %arg5[%add3A_14, %broadcast_in_dim3A_88] : memref<512x26xi32, #tpu.memory_space<vmem>>[vector<16xi32>, vector<16xi32>], vector<16xi32>,
      %add3A_90 = arith.constant 288 : i32
      %add3A_91 = vector.broadcast %add3A_90 : i32 to vector<16xi32>
      %add3A_92 = arith.addi %gather3A_89, %add3A_91 : vector<16xi32>
      %gather3A_93 = tpu.vector_load_idx %arg6[%add3A_92] : memref<832xf32, #tpu.memory_space<vmem>>[vector<16xi32>], vector<16xf32>,
      %add3A_94 = arith.addf %add3A_86, %gather3A_93 : vector<16xf32>
      %broadcast_in_dim3A_95 = arith.constant 10 : i32
      %broadcast_in_dim3A_96 = vector.broadcast %broadcast_in_dim3A_95 : i32 to vector<16xi32>
      %gather3A_97 = tpu.vector_load_idx %arg5[%add3A_14, %broadcast_in_dim3A_96] : memref<512x26xi32, #tpu.memory_space<vmem>>[vector<16xi32>, vector<16xi32>], vector<16xi32>,
      %add3A_98 = arith.constant 320 : i32
      %add3A_99 = vector.broadcast %add3A_98 : i32 to vector<16xi32>
      %add3A_100 = arith.addi %gather3A_97, %add3A_99 : vector<16xi32>
      %gather3A_101 = tpu.vector_load_idx %arg6[%add3A_100] : memref<832xf32, #tpu.memory_space<vmem>>[vector<16xi32>], vector<16xf32>,
      %add3A_102 = arith.addf %add3A_94, %gather3A_101 : vector<16xf32>
      %broadcast_in_dim3A_103 = arith.constant 11 : i32
      %broadcast_in_dim3A_104 = vector.broadcast %broadcast_in_dim3A_103 : i32 to vector<16xi32>
      %gather3A_105 = tpu.vector_load_idx %arg5[%add3A_14, %broadcast_in_dim3A_104] : memref<512x26xi32, #tpu.memory_space<vmem>>[vector<16xi32>, vector<16xi32>], vector<16xi32>,
      %add3A_106 = arith.constant 352 : i32
      %add3A_107 = vector.broadcast %add3A_106 : i32 to vector<16xi32>
      %add3A_108 = arith.addi %gather3A_105, %add3A_107 : vector<16xi32>
      %gather3A_109 = tpu.vector_load_idx %arg6[%add3A_108] : memref<832xf32, #tpu.memory_space<vmem>>[vector<16xi32>], vector<16xf32>,
      %add3A_110 = arith.addf %add3A_102, %gather3A_109 : vector<16xf32>
      %broadcast_in_dim3A_111 = arith.constant 12 : i32
      %broadcast_in_dim3A_112 = vector.broadcast %broadcast_in_dim3A_111 : i32 to vector<16xi32>
      %gather3A_113 = tpu.vector_load_idx %arg5[%add3A_14, %broadcast_in_dim3A_112] : memref<512x26xi32, #tpu.memory_space<vmem>>[vector<16xi32>, vector<16xi32>], vector<16xi32>,
      %add3A_114 = arith.constant 384 : i32
      %add3A_115 = vector.broadcast %add3A_114 : i32 to vector<16xi32>
      %add3A_116 = arith.addi %gather3A_113, %add3A_115 : vector<16xi32>
      %gather3A_117 = tpu.vector_load_idx %arg6[%add3A_116] : memref<832xf32, #tpu.memory_space<vmem>>[vector<16xi32>], vector<16xf32>,
      %add3A_118 = arith.addf %add3A_110, %gather3A_117 : vector<16xf32>
      %broadcast_in_dim3A_119 = arith.constant 13 : i32
      %broadcast_in_dim3A_120 = vector.broadcast %broadcast_in_dim3A_119 : i32 to vector<16xi32>
      %gather3A_121 = tpu.vector_load_idx %arg5[%add3A_14, %broadcast_in_dim3A_120] : memref<512x26xi32, #tpu.memory_space<vmem>>[vector<16xi32>, vector<16xi32>], vector<16xi32>,
      %add3A_122 = arith.constant 416 : i32
      %add3A_123 = vector.broadcast %add3A_122 : i32 to vector<16xi32>
      %add3A_124 = arith.addi %gather3A_121, %add3A_123 : vector<16xi32>
      %gather3A_125 = tpu.vector_load_idx %arg6[%add3A_124] : memref<832xf32, #tpu.memory_space<vmem>>[vector<16xi32>], vector<16xf32>,
      %add3A_126 = arith.addf %add3A_118, %gather3A_125 : vector<16xf32>
      %broadcast_in_dim3A_127 = arith.constant 14 : i32
      %broadcast_in_dim3A_128 = vector.broadcast %broadcast_in_dim3A_127 : i32 to vector<16xi32>
      %gather3A_129 = tpu.vector_load_idx %arg5[%add3A_14, %broadcast_in_dim3A_128] : memref<512x26xi32, #tpu.memory_space<vmem>>[vector<16xi32>, vector<16xi32>], vector<16xi32>,
      %add3A_130 = arith.constant 448 : i32
      %add3A_131 = vector.broadcast %add3A_130 : i32 to vector<16xi32>
      %add3A_132 = arith.addi %gather3A_129, %add3A_131 : vector<16xi32>
      %gather3A_133 = tpu.vector_load_idx %arg6[%add3A_132] : memref<832xf32, #tpu.memory_space<vmem>>[vector<16xi32>], vector<16xf32>,
      %add3A_134 = arith.addf %add3A_126, %gather3A_133 : vector<16xf32>
      %broadcast_in_dim3A_135 = arith.constant 15 : i32
      %broadcast_in_dim3A_136 = vector.broadcast %broadcast_in_dim3A_135 : i32 to vector<16xi32>
      %gather3A_137 = tpu.vector_load_idx %arg5[%add3A_14, %broadcast_in_dim3A_136] : memref<512x26xi32, #tpu.memory_space<vmem>>[vector<16xi32>, vector<16xi32>], vector<16xi32>,
      %add3A_138 = arith.constant 480 : i32
      %add3A_139 = vector.broadcast %add3A_138 : i32 to vector<16xi32>
      %add3A_140 = arith.addi %gather3A_137, %add3A_139 : vector<16xi32>
      %gather3A_141 = tpu.vector_load_idx %arg6[%add3A_140] : memref<832xf32, #tpu.memory_space<vmem>>[vector<16xi32>], vector<16xf32>,
      %add3A_142 = arith.addf %add3A_134, %gather3A_141 : vector<16xf32>
      %broadcast_in_dim3A_143 = arith.constant 16 : i32
      %broadcast_in_dim3A_144 = vector.broadcast %broadcast_in_dim3A_143 : i32 to vector<16xi32>
      %gather3A_145 = tpu.vector_load_idx %arg5[%add3A_14, %broadcast_in_dim3A_144] : memref<512x26xi32, #tpu.memory_space<vmem>>[vector<16xi32>, vector<16xi32>], vector<16xi32>,
      %add3A_146 = arith.constant 512 : i32
      %add3A_147 = vector.broadcast %add3A_146 : i32 to vector<16xi32>
      %add3A_148 = arith.addi %gather3A_145, %add3A_147 : vector<16xi32>
      %gather3A_149 = tpu.vector_load_idx %arg6[%add3A_148] : memref<832xf32, #tpu.memory_space<vmem>>[vector<16xi32>], vector<16xf32>,
      %add3A_150 = arith.addf %add3A_142, %gather3A_149 : vector<16xf32>
      %broadcast_in_dim3A_151 = arith.constant 17 : i32
      %broadcast_in_dim3A_152 = vector.broadcast %broadcast_in_dim3A_151 : i32 to vector<16xi32>
      %gather3A_153 = tpu.vector_load_idx %arg5[%add3A_14, %broadcast_in_dim3A_152] : memref<512x26xi32, #tpu.memory_space<vmem>>[vector<16xi32>, vector<16xi32>], vector<16xi32>,
      %add3A_154 = arith.constant 544 : i32
      %add3A_155 = vector.broadcast %add3A_154 : i32 to vector<16xi32>
      %add3A_156 = arith.addi %gather3A_153, %add3A_155 : vector<16xi32>
      %gather3A_157 = tpu.vector_load_idx %arg6[%add3A_156] : memref<832xf32, #tpu.memory_space<vmem>>[vector<16xi32>], vector<16xf32>,
      %add3A_158 = arith.addf %add3A_150, %gather3A_157 : vector<16xf32>
      %broadcast_in_dim3A_159 = arith.constant 18 : i32
      %broadcast_in_dim3A_160 = vector.broadcast %broadcast_in_dim3A_159 : i32 to vector<16xi32>
      %gather3A_161 = tpu.vector_load_idx %arg5[%add3A_14, %broadcast_in_dim3A_160] : memref<512x26xi32, #tpu.memory_space<vmem>>[vector<16xi32>, vector<16xi32>], vector<16xi32>,
      %add3A_162 = arith.constant 576 : i32
      %add3A_163 = vector.broadcast %add3A_162 : i32 to vector<16xi32>
      %add3A_164 = arith.addi %gather3A_161, %add3A_163 : vector<16xi32>
      %gather3A_165 = tpu.vector_load_idx %arg6[%add3A_164] : memref<832xf32, #tpu.memory_space<vmem>>[vector<16xi32>], vector<16xf32>,
      %add3A_166 = arith.addf %add3A_158, %gather3A_165 : vector<16xf32>
      %broadcast_in_dim3A_167 = arith.constant 19 : i32
      %broadcast_in_dim3A_168 = vector.broadcast %broadcast_in_dim3A_167 : i32 to vector<16xi32>
      %gather3A_169 = tpu.vector_load_idx %arg5[%add3A_14, %broadcast_in_dim3A_168] : memref<512x26xi32, #tpu.memory_space<vmem>>[vector<16xi32>, vector<16xi32>], vector<16xi32>,
      %add3A_170 = arith.constant 608 : i32
      %add3A_171 = vector.broadcast %add3A_170 : i32 to vector<16xi32>
      %add3A_172 = arith.addi %gather3A_169, %add3A_171 : vector<16xi32>
      %gather3A_173 = tpu.vector_load_idx %arg6[%add3A_172] : memref<832xf32, #tpu.memory_space<vmem>>[vector<16xi32>], vector<16xf32>,
      %add3A_174 = arith.addf %add3A_166, %gather3A_173 : vector<16xf32>
      %broadcast_in_dim3A_175 = arith.constant 20 : i32
      %broadcast_in_dim3A_176 = vector.broadcast %broadcast_in_dim3A_175 : i32 to vector<16xi32>
      %gather3A_177 = tpu.vector_load_idx %arg5[%add3A_14, %broadcast_in_dim3A_176] : memref<512x26xi32, #tpu.memory_space<vmem>>[vector<16xi32>, vector<16xi32>], vector<16xi32>,
      %add3A_178 = arith.constant 640 : i32
      %add3A_179 = vector.broadcast %add3A_178 : i32 to vector<16xi32>
      %add3A_180 = arith.addi %gather3A_177, %add3A_179 : vector<16xi32>
      %gather3A_181 = tpu.vector_load_idx %arg6[%add3A_180] : memref<832xf32, #tpu.memory_space<vmem>>[vector<16xi32>], vector<16xf32>,
      %add3A_182 = arith.addf %add3A_174, %gather3A_181 : vector<16xf32>
      %broadcast_in_dim3A_183 = arith.constant 21 : i32
      %broadcast_in_dim3A_184 = vector.broadcast %broadcast_in_dim3A_183 : i32 to vector<16xi32>
      %gather3A_185 = tpu.vector_load_idx %arg5[%add3A_14, %broadcast_in_dim3A_184] : memref<512x26xi32, #tpu.memory_space<vmem>>[vector<16xi32>, vector<16xi32>], vector<16xi32>,
      %add3A_186 = arith.constant 672 : i32
      %add3A_187 = vector.broadcast %add3A_186 : i32 to vector<16xi32>
      %add3A_188 = arith.addi %gather3A_185, %add3A_187 : vector<16xi32>
      %gather3A_189 = tpu.vector_load_idx %arg6[%add3A_188] : memref<832xf32, #tpu.memory_space<vmem>>[vector<16xi32>], vector<16xf32>,
      %add3A_190 = arith.addf %add3A_182, %gather3A_189 : vector<16xf32>
      %broadcast_in_dim3A_191 = arith.constant 22 : i32
      %broadcast_in_dim3A_192 = vector.broadcast %broadcast_in_dim3A_191 : i32 to vector<16xi32>
      %gather3A_193 = tpu.vector_load_idx %arg5[%add3A_14, %broadcast_in_dim3A_192] : memref<512x26xi32, #tpu.memory_space<vmem>>[vector<16xi32>, vector<16xi32>], vector<16xi32>,
      %add3A_194 = arith.constant 704 : i32
      %add3A_195 = vector.broadcast %add3A_194 : i32 to vector<16xi32>
      %add3A_196 = arith.addi %gather3A_193, %add3A_195 : vector<16xi32>
      %gather3A_197 = tpu.vector_load_idx %arg6[%add3A_196] : memref<832xf32, #tpu.memory_space<vmem>>[vector<16xi32>], vector<16xf32>,
      %add3A_198 = arith.addf %add3A_190, %gather3A_197 : vector<16xf32>
      %broadcast_in_dim3A_199 = arith.constant 23 : i32
      %broadcast_in_dim3A_200 = vector.broadcast %broadcast_in_dim3A_199 : i32 to vector<16xi32>
      %gather3A_201 = tpu.vector_load_idx %arg5[%add3A_14, %broadcast_in_dim3A_200] : memref<512x26xi32, #tpu.memory_space<vmem>>[vector<16xi32>, vector<16xi32>], vector<16xi32>,
      %add3A_202 = arith.constant 736 : i32
      %add3A_203 = vector.broadcast %add3A_202 : i32 to vector<16xi32>
      %add3A_204 = arith.addi %gather3A_201, %add3A_203 : vector<16xi32>
      %gather3A_205 = tpu.vector_load_idx %arg6[%add3A_204] : memref<832xf32, #tpu.memory_space<vmem>>[vector<16xi32>], vector<16xf32>,
      %add3A_206 = arith.addf %add3A_198, %gather3A_205 : vector<16xf32>
      %broadcast_in_dim3A_207 = arith.constant 24 : i32
      %broadcast_in_dim3A_208 = vector.broadcast %broadcast_in_dim3A_207 : i32 to vector<16xi32>
      %gather3A_209 = tpu.vector_load_idx %arg5[%add3A_14, %broadcast_in_dim3A_208] : memref<512x26xi32, #tpu.memory_space<vmem>>[vector<16xi32>, vector<16xi32>], vector<16xi32>,
      %add3A_210 = arith.constant 768 : i32
      %add3A_211 = vector.broadcast %add3A_210 : i32 to vector<16xi32>
      %add3A_212 = arith.addi %gather3A_209, %add3A_211 : vector<16xi32>
      %gather3A_213 = tpu.vector_load_idx %arg6[%add3A_212] : memref<832xf32, #tpu.memory_space<vmem>>[vector<16xi32>], vector<16xf32>,
      %add3A_214 = arith.addf %add3A_206, %gather3A_213 : vector<16xf32>
      %broadcast_in_dim3A_215 = arith.constant 25 : i32
      %broadcast_in_dim3A_216 = vector.broadcast %broadcast_in_dim3A_215 : i32 to vector<16xi32>
      %gather3A_217 = tpu.vector_load_idx %arg5[%add3A_14, %broadcast_in_dim3A_216] : memref<512x26xi32, #tpu.memory_space<vmem>>[vector<16xi32>, vector<16xi32>], vector<16xi32>,
      %add3A_218 = arith.constant 800 : i32
      %add3A_219 = vector.broadcast %add3A_218 : i32 to vector<16xi32>
      %add3A_220 = arith.addi %gather3A_217, %add3A_219 : vector<16xi32>
      %gather3A_221 = tpu.vector_load_idx %arg6[%add3A_220] : memref<832xf32, #tpu.memory_space<vmem>>[vector<16xi32>], vector<16xf32>,
      %add3A_222 = arith.addf %add3A_214, %gather3A_221 : vector<16xf32>
      %mul3A_223 = arith.constant 16 : i32
      %mul3A_224 = arith.muli %scan3A_10, %mul3A_223 : i32
      %swap3A = arith.index_cast %mul3A_224 : i32 to index
      %swap3A_225 = tpu.vector_load %arg7[%swap3A] {strides = array<i32>} : memref<512xf32, #tpu.memory_space<vmem>>, vector<16xf32>,
      tpu.vector_store %arg7[%swap3A], %add3A_222 {strides = array<i32>} : memref<512xf32, #tpu.memory_space<vmem>>, vector<16xf32>,
    }
    %scan3A_7 = arith.constant 32 : i32
    %mul3A_8 = arith.constant 512 : i32
    %mul3A_9 = arith.muli %add3A, %mul3A_8 : i32
    "tpu.region"() ({
      %run_scoped3A = tpu.sem_alloc : memref<!tpu.dma_semaphore, #tpu.memory_space<semaphore_mem>>
      %dma_start3A = tpu.memref_slice %arg4[%mul3A_9] : memref<16384xf32, #tpu.memory_space<hbm>> -> memref<512xf32, #tpu.memory_space<hbm>>
      %dma_start3A_10 = tpu.memref_slice %arg4[%mul3A_9] : memref<16384xf32, #tpu.memory_space<hbm>> -> memref<512xf32, #tpu.memory_space<hbm>>
      tpu.enqueue_dma source(%arg7 : memref<512xf32, #tpu.memory_space<vmem>>) target(%dma_start3A_10 : memref<512xf32, #tpu.memory_space<hbm>>) target_semaphore(%run_scoped3A : memref<!tpu.dma_semaphore, #tpu.memory_space<semaphore_mem>>)
      %dma_wait3A = tpu.memref_slice %arg4[%mul3A_9] : memref<16384xf32, #tpu.memory_space<hbm>> -> memref<512xf32, #tpu.memory_space<hbm>>
      %dma_wait3A_11 = tpu.memref_slice %arg4[%mul3A_9] : memref<16384xf32, #tpu.memory_space<hbm>> -> memref<512xf32, #tpu.memory_space<hbm>>
      tpu.wait_dma2 semaphore(%run_scoped3A : memref<!tpu.dma_semaphore, #tpu.memory_space<semaphore_mem>>) src(%arg7 : memref<512xf32, #tpu.memory_space<vmem>>) dst(%dma_wait3A_11 : memref<512xf32, #tpu.memory_space<hbm>>)
      tpu.yield
    }) : () -> ()
    return
  }
}

</mosaic_0001>

<sc_bundles>
// kernel: kernel.3.cloned.1.call-start
scs
__scs_entry_jumppad:
0x0: {  	(pc) =	sbr.rel $0x88, $3  }
0x1: {  	(tag) =	ssettag $0x0;
	lr =	simm.s32 $0x1  }
0x2: {  	[smem:$0x3F9E] =	sst lr;
	_ =	strace $0xD0000000  }
0x3: {  	_ = 	snop  }
0x4: {  	_ = 	snop  }
0x5: {  	_ = 	snop  }
0x6: {  	_ = 	snop  }
0x7: {  	_ = 	snop  }
__scs_overlays_trampoline_lowered:
0x8: {  	[smem:$0x3FAD] =	sst s0  }
0x9: {  	[smem:$0x3FAE] =	sst s1  }
0xa: {  	[smem:$0x3FAF] =	sst s2  }
0xb: {  	[smem:$0x3FB0] =	sst s3  }
0xc: {  	[smem:$0x3FB1] =	sst s4  }
0xd: {  	[smem:$0x3FB2] =	sst s5  }
0xe: {  	[smem:$0x3FB3] =	sst s6  }
0xf: {  	[smem:$0x3FB4] =	sst s7  }
0x10: {  	[smem:$0x3FB5] =	sst s8  }
0x11: {  	[smem:$0x3FB6] =	sst s9;
	s0 =	simm.s32 @!p0 $0x0  }
0x12: {  	s1 =	sld [smem:$0x3F9C];
	s0 =	simm.s32 @p0 $0x1  }
0x13: {  	[smem:$0x3FB7] =	sst s0;
	s0 =	simm.s32 @!p1 $0x0  }
0x14: {  	s2 =	sld [smem:$0x3F9B];
	s0 =	simm.s32 @p1 $0x1  }
0x15: {  	[smem:$0x3FB8] =	sst s0;
	s0 =	simm.s32 @!p2 $0x0  }
0x16: {  	s3 =	sld [smem:$0x3FDB];
	s0 =	simm.s32 @p2 $0x1  }
0x17: {  	s4 =	simm.s32 $0x1BF5;
	[smem:$0x3FBA] =	sst s0  }
0x18: {  	s0 =	sld [smem:$0x3F9D];
	_ =	swait.ge [sflag:s4], $0x0  }
0x19: {  	s7 =	sld [smem:$0x3F9E]  }
0x1a: {  	s8 =	sadd.s32 $0xFFFFE003, lr  }
0x1b: {  	s9 =	sadd.s32 $0xFFFFFEF7, lr;
	s5 =	simm.s32 $0xFFFFFFFF;
	p2 =	slt.u32 s8, $0xFFFFF086  }
0x1c: {  	p1 =	slt.u32 s9, $0xF7A;
	s5 =	simm.s32 @!p2 $0x0  }
0x1d: {  	s5 =	simm.s32 @p1 $0x1;
	p0 =	seq.s32 s7, s2  }
0x1e: {  	s7 =	smul.u32 @!p0 $0xF7A, s2;
	p2 =	seq.s32 @!p0 s5, $0x0  }
0x1f: {  	s9 =	smul.u32 $0xF7A, s1;
	s8 =	simm.s32 @!p0 $0x1BF5;
	p2 =	por !p2, p0  }
0x20: {  	[sflag:s8] =	ssyncset.s32 @!p0 $0xFFFFF086;
	s6 =	sadd.s32 @!p0 s3, s7;
	s7 =	simm.s32 @!p0 $0x108  }
0x21: {  	s3 =	sadd.s32 s3, s9;
	s6 =	sadd.s32 @!p0 $0x88, s6;
	s7 =	simm.s32 @p2 $0x1082  }
0x22: {  	[simem:s7], [sflag:s8] =	dma.local @!p0 [hbm:s6], $0xF7A  }
0x23: {  	s9 =	sor.u32 $0xD0000000, s2;
	s6 =	simm.s32 $0x108;
	_ =	swait.ge @!p0 [sflag:s8], $0x0  }
0x24: {  	s3 =	sadd.s32 $0x88, s3;
	s6 =	simm.s32 @!p1 $0x1082;
	[sflag:s4] =	ssyncset.s32 $0xFFFFF086  }
0x25: {  	[simem:s6], [sflag:s4] =	dma.local [hbm:s3], $0xF7A  }
0x26: {  	[smem:$0x3F9E] =	sst s1;
	(tag) =	ssettag s2;
	_ =	strace s9  }
0x27: {  	s1 =	sld [smem:$0x3FAE]  }
0x28: {  	s2 =	sld [smem:$0x3FAF]  }
0x29: {  	s4 =	sld [smem:$0x3FB1]  }
0x2a: {  	p0 =	seq.s32 s5, $0x0;
	s5 =	sld [smem:$0x3FB2]  }
0x2b: {  	s6 =	sld [smem:$0x3FB3]  }
0x2c: {  	s7 =	sld [smem:$0x3FB4]  }
0x2d: {  	s3 =	simm.s32 $0x108;
	s8 =	sld [smem:$0x3FB5]  }
0x2e: {  	s3 =	simm.s32 @!p0 $0x1082;
	s9 =	sld [smem:$0x3FB6]  }
0x2f: {  	lr =	sadd.s32 s0, s3;
	s0 =	sld [smem:$0x3FAD]  }
0x30: {  	s3 =	sld [smem:$0x3FB0]  }
0x31: {  	[smem:$0x3FB9] =	sst s10  }
0x32: {  	s10 =	sld [smem:$0x3FB7];
	_ =	sdelay $0x3  }
0x33: {  	p0 =	seq.s32 s10, $0x1;
	s10 =	sld [smem:$0x3FB9];
	_ =	sdelay $0x3  }
0x34: {  	[smem:$0x3FB9] =	sst s10  }
0x35: {  	s10 =	sld [smem:$0x3FB8];
	_ =	sdelay $0x3  }
0x36: {  	p1 =	seq.s32 s10, $0x1;
	s10 =	sld [smem:$0x3FB9];
	_ =	sdelay $0x3  }
0x37: {  	[smem:$0x3FB9] =	sst s10  }
0x38: {  	s10 =	sld [smem:$0x3FBA]  }
0x39: {  	_ = 	snop;
	(pc) =	sbr.ind lr, $3  }
0x3a: {  	_ = 	snop  }
0x3b: {  	_ = 	snop  }
0x3c: {  	p2 =	seq.s32 s10, $0x1;
	s10 =	sld [smem:$0x3FB9]  }
0x3d: {  	_ =	shalt  }
0x3e: {  	_ =	shalt  }
0x3f: {  	_ =	shalt  }
0x40: {  	_ =	shalt  }
0x41: {  	_ =	shalt  }
0x42: {  	_ =	shalt  }
0x43: {  	_ =	shalt  }
0x44: {  	_ =	shalt  }
0x45: {  	_ =	shalt  }
0x46: {  	_ =	shalt  }
0x47: {  	_ =	shalt  }
0x48: {  	_ =	shalt  }
0x49: {  	_ =	shalt  }
0x4a: {  	_ =	shalt  }
0x4b: {  	_ =	shalt  }
0x4c: {  	_ =	shalt  }
0x4d: {  	_ =	shalt  }
0x4e: {  	_ =	shalt  }
0x4f: {  	_ =	shalt  }
0x50: {  	_ =	shalt  }
0x51: {  	_ =	shalt  }
0x52: {  	_ =	shalt  }
0x53: {  	_ =	shalt  }
0x54: {  	_ =	shalt  }
0x55: {  	_ =	shalt  }
0x56: {  	_ =	shalt  }
0x57: {  	_ =	shalt  }
0x58: {  	_ =	shalt  }
0x59: {  	_ =	shalt  }
0x5a: {  	_ =	shalt  }
0x5b: {  	_ =	shalt  }
0x5c: {  	_ =	shalt  }
0x5d: {  	_ =	shalt  }
0x5e: {  	_ =	shalt  }
0x5f: {  	_ =	shalt  }
0x60: {  	_ =	shalt  }
0x61: {  	_ =	shalt  }
0x62: {  	_ =	shalt  }
0x63: {  	_ =	shalt  }
0x64: {  	_ =	shalt  }
0x65: {  	_ =	shalt  }
0x66: {  	_ =	shalt  }
0x67: {  	_ =	shalt  }
0x68: {  	_ =	shalt  }
0x69: {  	_ =	shalt  }
0x6a: {  	_ =	shalt  }
0x6b: {  	_ =	shalt  }
0x6c: {  	_ =	shalt  }
0x6d: {  	_ =	shalt  }
0x6e: {  	_ =	shalt  }
0x6f: {  	_ =	shalt  }
0x70: {  	_ =	shalt  }
0x71: {  	_ =	shalt  }
0x72: {  	_ =	shalt  }
0x73: {  	_ =	shalt  }
0x74: {  	_ =	shalt  }
0x75: {  	_ =	shalt  }
0x76: {  	_ =	shalt  }
0x77: {  	_ =	shalt  }
0x78: {  	_ =	shalt  }
0x79: {  	_ =	shalt  }
0x7a: {  	_ =	shalt  }
0x7b: {  	_ =	shalt  }
0x7c: {  	_ =	shalt  }
0x7d: {  	_ =	shalt  }
0x7e: {  	_ =	shalt  }
0x7f: {  	_ =	shalt  }
0x80: {  	_ =	shalt  }
0x81: {  	_ =	shalt  }
0x82: {  	_ =	shalt  }
0x83: {  	_ =	shalt  }
0x84: {  	_ =	shalt  }
0x85: {  	_ =	shalt  }
0x86: {  	_ =	shalt  }
0x87: {  	_ =	shalt  }
.Lfunc_end0:
.L_simem_size_0:
called_computation_lowered:
.L_overlay_start_0:
0x88: {  	s2 =	sld [smem:$0x3FD9]  }
0x89: {  	s3 =	sld [smem:$0x3FFE];
	_ =	sdelay $0x1  }
0x8a: {  	s1 =	srdreg.scid  }
0x8b: {  	s0 =	sand.u32 $0x1, s1  }
0x8c: {  	s17 =	sshll.u32 s0, $0xA;
	s2 =	sadd.s32 s3, s2  }
0x8d: {  	s2 =	sadd.s32 s2, s17  }
0x8e: {  	[smem:$0x3FC5] =	sst s2  }
0x8f: {  	_ = 	snop  }
0x90: {  	s2 =	sld [smem:$0x3FD0];
	(tm) =	ssettm $0x1  }
0x91: {  	s18 =	sld [smem:$0x3FFB];
	_ =	sdelay $0x3  }
0x92: {  	_ =	strace s18  }
0x93: {  	s3 =	sld [smem:$0x3FFC];
	_ =	sdelay $0x3  }
0x94: {  	_ =	strace s3  }
0x95: {  	s3 =	sld [smem:$0x3FFD];
	_ =	sdelay $0x3  }
0x96: {  	_ =	strace s3  }
0x97: {  	_ =	strace $0x8FFFFFFF  }
0x98: {  	s19 =	sld [smem:$0x3FDB];
	_ =	sdelay $0x1  }
0x99: {  	s4 =	simm.s32 $_scs_section_size  }
0x9a: {  	s5 =	simm.s32 $_size__tile_overlayer_lowered;
	s6 =	simm.s32 $_tile_overlayer_lowered  }
0x9b: {  	s22 =	simm.s32 $0x1BFF;
	s21 =	sshll.u32 s6, $0x1;
	s3 =	sadd.s32 s4, s19  }
0x9c: {  	s7 =	simm.s32 $0x0;
	s20 =	sshll.u32 s5, $0x1;
	s5 =	sadd.s32 s21, s3  }
0x9d: {  	[timem:s7], [sflag:s22] =	dma.local [hbm:s5], s20  }
0x9e: {  	_ =	swait.ge [sflag:s22], s20  }
0x9f: {  	s4 =	ssub.s32 $0x0, s20;
	[sflag:s22] =	ssyncset.done $0x0  }
0xa0: {  	[sflag:s22] =	ssyncadd.s32 s4;
	_ =	sdelay $0x1  }
0xa1: {  	s23 =	simm.s32 $0x1B8B  }
0xa2: {  	_ =	swait.ge [sflag:s23], $0x1  }
0xa3: {  	[sflag:s23] =	ssyncset.done $0x0  }
0xa4: {  	s25 =	simm.s32 $0x1B8E;
	s24 =	sld [smem:$0x3FFE];
	[sflag:s23] =	ssyncadd.s32 $0xFFFFFFFF  }
0xa5: {  	s26 =	simm.s32 $execute0_lowered;
	[smem:$0x3FD2] =	sst s25  }
0xa6: {  	s5 =	sshll.u32 s26, $0x1;
	_ =	strace $0x80000046;
	[dreg:$0x1] =	wrdreg $0xFFFFFFFF  }
0xa7: {  	s28 =	simm.s32 $_size_execute0_lowered;
	s3 =	sadd.s32 s3, s5;
	[dreg:$0x0] =	wrdreg $0x0  }
0xa8: {  	s5 =	sshll.u32 s28, $0x1;
	[dreg:$0x2] =	wrdreg s3  }
0xa9: {  	[dreg:$0x3] =	wrdreg s5  }
0xaa: {  	[dreg:$0x4] =	wrdreg $0xC0  }
0xab: {  	_ =	task [dreg:s7], $0x5FFFF  }
0xac: {  	[dreg:$0x1] =	wrdreg $0xFFFFFFFF  }
0xad: {  	[dreg:$0x0] =	wrdreg $0x60  }
0xae: {  	[dreg:$0x2] =	wrdreg s24  }
0xaf: {  	[dreg:$0x3] =	wrdreg s2  }
0xb0: {  	[dreg:$0x4] =	wrdreg $0x9  }
0xb1: {  	_ =	task.clear_ibuf [dreg:s7], $0x5FFFF;
	_ =	strace $0x90000046  }
0xb2: {  	s29 =	simm.s32 $0x9;
	_ =	strace $0x80000048  }
0xb3: {  	_ =	swait.ge [sflag:s29], $0x1  }
0xb4: {  	[sflag:s29] =	ssyncadd.s32 $0xFFFFFFFF  }
0xb5: {  	_ =	strace $0x90000048  }
0xb6: {  	_ =	sfence  }
0xb7: {  	s30 =	sld [smem:$0x0];
	_ =	sdelay $0x2  }
0xb8: {  	s31 =	sshll.u32 s1, $0xD;
	s1 =	sshrl.u32 s1, $0x2  }
0xb9: {  	s3 =	sand.u32 $0x4000, s31;
	s1 =	sadd.s32 s1, s30  }
0xba: {  	s0 =	sor.u32 s3, s0;
	s1 =	sshll.u32 s1, $0x11  }
0xbb: {  	s0 =	sor.u32 s1, s0  }
0xbc: {  	s0 =	sadd.s32 $0x8F2B, s0  }
0xbd: {  	[sflag:s0] =	ssyncadd.remote.s32 $0x1  }
0xbe: {  	_ =	sfence.sel $0xFFFF  }
0xbf: {  	[dreg:$0x0] =	wrdreg $0xFFFFFFFF;
	(pc) =	sbr.abs _section_cstart, $3  }
0xc0: {  	[dreg:$0x1] =	wrdreg $0xFFFFFFFF  }
0xc1: {  	_ =	task.clear_ibuf [dreg:s7], $0x2FFFF;
	_ =	strace $0x9FFFFFFF  }
0xc2: {  	(tm) =	ssettm $0x7FFFFFFF  }
0xc3: {  	_ =	shalt  }
tec
execute0_lowered:
.L_overlay_start_1:
0x0: {  	(tag) =	ssettag $0x1  }
0x1: {  	s4 =	rddreg [dreg:$0x0]  }
0x2: {  	s5 =	rddreg [dreg:$0x1]  }
0x3: {  	s0 =	rddreg [dreg:$0x2];
	s3 =	srdreg.scid  }
0x4: {  	s2 =	simm.s32 $0x0;
	s1 =	stileid.u32;
	s10 =	simm.s32 $0x0  }
0x5: {  	s3 =	sand.u32 $0x1, s3;
	[smem:$0x7FF] =	sst s2;
	s6 =	sshll.u32 s1, $0xA  }
0x6: {  	s7 =	sshll.u32 s3, $0x9;
	_ =	strace $0x80000047;
	s8 =	ssub.s32 $0x2, s3  }
0x7: {  	s3 =	sadd.s32 $0x40000, s4;
	s6 =	sor.u32 s7, s6;
	s31 =	sshrl.u32 s8, $0x1  }
0x8: {  	s9 =	sshll.u32 s6, $0x4;
	s7 =	ssub.s32 s8, s31;
	s6 =	sshrl.u32 s6, $0x3  }
0x9: {  	v0 =	vlaneseq.u32;
	s8 =	simm.s32 $0x10000;
	s4 =	sadd.s32 s4, s9;
	s5 =	sadd.s32 s5, s6  }
0xa: {  	v0 =	vmul.u32 $0x80, v0;
	s6 =	smax.u32 s7, $0x1;
	s7 =	simm.s32 $0x1;
	s9 =	simm.s32 $0x10380  }
.LBB2_1:
0xb: {  	[tilespmem:s2], [sflag:$0x1] =	stream.linear.gather [hbm4b:s4+s2], $0x10000, $0x38;
	v1 =	vmov s2;
	[tilespmem:$0x10580] =	vst v63  }
0xc: {  	_ =	swait.ge [sflag:s7], $0x10000;
	v1 =	vshll.u32 v1, $0x7  }
0xd: {  	[sflag:s7] =	ssyncset.done $0x0;
	v1 =	vor.u32 v0, v1  }
0xe: {  	[sflag:s7] =	ssyncadd.s32 $0xFFFF0000;
	v2 =	vor.u32 $0x1, v1  }
0xf: {  	[tilespmem:s8], [sflag:$0x1] =	stream.linear.gather [hbm4b:s3+s2], $0x380, $0x38;
	[tilespmem:$0x10580] =	vst v63  }
0x10: {  	_ =	swait.ge [sflag:s7], $0x380  }
0x11: {  	v3 =	vor.u32 $0x2, v1;
	[sflag:s7] =	ssyncset.done $0x0  }
0x12: {  	[sflag:s7] =	ssyncadd.s32 $0xFFFFFC80  }
0x13: {  	v4 =	vor.u32 $0x3, v1;
	v2 =	vld.idx.msk [tilespmem:v2+s2+$0x0], $0xffff  }
0x14: {  	v5 =	vld.idx.msk [tilespmem:v1+s2+$0x0], $0xffff  }
0x15: {  	v6 =	vor.u32 $0x4, v1  }
0x16: {  	v7 =	vor.u32 $0x5, v1;
	v3 =	vld.idx.msk [tilespmem:v3+s2+$0x0], $0xffff;
	_ =	sdelay $0x1  }
0x17: {  	v8 =	vor.u32 $0x6, v1;
	v4 =	vld.idx.msk [tilespmem:v4+s2+$0x0], $0xffff  }
0x18: {  	v2 =	vadd.s32 $0x20, v2  }
0x19: {  	v9 =	vor.u32 $0x7, v1;
	v6 =	vld.idx.msk [tilespmem:v6+s2+$0x0], $0xffff  }
0x1a: {  	v7 =	vld.idx.msk [tilespmem:v7+s2+$0x0], $0xffff;
	v3 =	vadd.s32 $0x40, v3  }
0x1b: {  	v10 =	vor.u32 $0x8, v1;
	v5 =	vld.idx.msk [tilespmem:v5+s8+$0x0], $0xffff  }
0x1c: {  	v8 =	vld.idx.msk [tilespmem:v8+s2+$0x0], $0xffff;
	v4 =	vadd.s32 $0x60, v4  }
0x1d: {  	v11 =	vor.u32 $0x9, v1;
	v2 =	vld.idx.msk [tilespmem:v2+s8+$0x0], $0xffff  }
0x1e: {  	v9 =	vld.idx.msk [tilespmem:v9+s2+$0x0], $0xffff;
	v6 =	vadd.s32 $0x80, v6  }
0x1f: {  	v12 =	vor.u32 $0xA, v1;
	v3 =	vld.idx.msk [tilespmem:v3+s8+$0x0], $0xffff  }
0x20: {  	v10 =	vld.idx.msk [tilespmem:v10+s2+$0x0], $0xffff;
	v7 =	vadd.s32 $0xA0, v7;
	v5 =	vadd.f32 $0.0e+00, v5  }
0x21: {  	v13 =	vor.u32 $0xB, v1;
	v4 =	vld.idx.msk [tilespmem:v4+s8+$0x0], $0xffff  }
0x22: {  	v11 =	vld.idx.msk [tilespmem:v11+s2+$0x0], $0xffff;
	v8 =	vadd.s32 $0xC0, v8;
	v2 =	vadd.f32 v2, v5  }
0x23: {  	v5 =	vld.idx.msk [tilespmem:v6+s8+$0x0], $0xffff;
	v6 =	vor.u32 $0xC, v1  }
0x24: {  	v12 =	vld.idx.msk [tilespmem:v12+s2+$0x0], $0xffff;
	v9 =	vadd.s32 $0xE0, v9;
	v2 =	vadd.f32 v3, v2  }
0x25: {  	v3 =	vld.idx.msk [tilespmem:v7+s8+$0x0], $0xffff;
	v7 =	vor.u32 $0xD, v1  }
0x26: {  	v13 =	vld.idx.msk [tilespmem:v13+s2+$0x0], $0xffff;
	v10 =	vadd.s32 $0x100, v10;
	v2 =	vadd.f32 v4, v2  }
0x27: {  	v40 =	vor.u32 $0xE, v1;
	v4 =	vld.idx.msk [tilespmem:v8+s8+$0x0], $0xffff  }
0x28: {  	v11 =	vadd.s32 $0x120, v11;
	v6 =	vld.idx.msk [tilespmem:v6+s2+$0x0], $0xffff;
	v2 =	vadd.f32 v5, v2  }
0x29: {  	v41 =	vor.u32 $0xF, v1;
	v5 =	vld.idx.msk [tilespmem:v9+s8+$0x0], $0xffff  }
0x2a: {  	v12 =	vadd.s32 $0x140, v12;
	v7 =	vld.idx.msk [tilespmem:v7+s2+$0x0], $0xffff;
	v2 =	vadd.f32 v3, v2  }
0x2b: {  	v42 =	vor.u32 $0x10, v1;
	v3 =	vld.idx.msk [tilespmem:v10+s8+$0x0], $0xffff  }
0x2c: {  	v13 =	vadd.s32 $0x160, v13;
	v8 =	vld.idx.msk [tilespmem:v40+s2+$0x0], $0xffff;
	v2 =	vadd.f32 v4, v2  }
0x2d: {  	v43 =	vor.u32 $0x11, v1;
	v4 =	vld.idx.msk [tilespmem:v11+s8+$0x0], $0xffff  }
0x2e: {  	v9 =	vld.idx.msk [tilespmem:v41+s2+$0x0], $0xffff;
	v6 =	vadd.s32 $0x180, v6;
	v2 =	vadd.f32 v5, v2  }
0x2f: {  	v44 =	vor.u32 $0x12, v1;
	v5 =	vld.idx.msk [tilespmem:v12+s8+$0x0], $0xffff  }
0x30: {  	v10 =	vld.idx.msk [tilespmem:v42+s2+$0x0], $0xffff;
	v7 =	vadd.s32 $0x1A0, v7;
	v2 =	vadd.f32 v3, v2  }
0x31: {  	v45 =	vor.u32 $0x13, v1;
	v3 =	vld.idx.msk [tilespmem:v13+s8+$0x0], $0xffff  }
0x32: {  	v8 =	vadd.s32 $0x1C0, v8;
	v11 =	vld.idx.msk [tilespmem:v43+s2+$0x0], $0xffff;
	v2 =	vadd.f32 v4, v2  }
0x33: {  	v4 =	vld.idx.msk [tilespmem:v6+s8+$0x0], $0xffff;
	v6 =	vor.u32 $0x14, v1  }
0x34: {  	v9 =	vadd.s32 $0x1E0, v9;
	v12 =	vld.idx.msk [tilespmem:v44+s2+$0x0], $0xffff;
	v2 =	vadd.f32 v5, v2  }
0x35: {  	v5 =	vld.idx.msk [tilespmem:v7+s8+$0x0], $0xffff;
	v7 =	vor.u32 $0x15, v1  }
0x36: {  	v10 =	vadd.s32 $0x200, v10;
	v13 =	vld.idx.msk [tilespmem:v45+s2+$0x0], $0xffff;
	v2 =	vadd.f32 v3, v2  }
0x37: {  	v46 =	vor.u32 $0x16, v1;
	v3 =	vld.idx.msk [tilespmem:v8+s8+$0x0], $0xffff  }
0x38: {  	v11 =	vadd.s32 $0x220, v11;
	v6 =	vld.idx.msk [tilespmem:v6+s2+$0x0], $0xffff;
	v2 =	vadd.f32 v4, v2  }
0x39: {  	v47 =	vor.u32 $0x17, v1;
	v4 =	vld.idx.msk [tilespmem:v9+s8+$0x0], $0xffff  }
0x3a: {  	v12 =	vadd.s32 $0x240, v12;
	v7 =	vld.idx.msk [tilespmem:v7+s2+$0x0], $0xffff;
	v2 =	vadd.f32 v5, v2  }
0x3b: {  	v48 =	vor.u32 $0x18, v1;
	v5 =	vld.idx.msk [tilespmem:v10+s8+$0x0], $0xffff  }
0x3c: {  	v13 =	vadd.s32 $0x260, v13;
	v8 =	vld.idx.msk [tilespmem:v46+s2+$0x0], $0xffff;
	v2 =	vadd.f32 v3, v2  }
0x3d: {  	v1 =	vor.u32 $0x19, v1;
	v3 =	vld.idx.msk [tilespmem:v11+s8+$0x0], $0xffff  }
0x3e: {  	v9 =	vld.idx.msk [tilespmem:v47+s2+$0x0], $0xffff;
	v6 =	vadd.s32 $0x280, v6;
	v2 =	vadd.f32 v4, v2  }
0x3f: {  	v4 =	vld.idx.msk [tilespmem:v12+s8+$0x0], $0xffff  }
0x40: {  	v10 =	vld.idx.msk [tilespmem:v48+s2+$0x0], $0xffff;
	v7 =	vadd.s32 $0x2A0, v7;
	v2 =	vadd.f32 v5, v2  }
0x41: {  	v5 =	vld.idx.msk [tilespmem:v13+s8+$0x0], $0xffff  }
0x42: {  	v1 =	vld.idx.msk [tilespmem:v1+s2+$0x0], $0xffff;
	v8 =	vadd.s32 $0x2C0, v8;
	v2 =	vadd.f32 v3, v2  }
0x43: {  	v3 =	vld.idx.msk [tilespmem:v6+s8+$0x0], $0xffff  }
0x44: {  	v6 =	vadd.s32 $0x2E0, v9;
	v2 =	vadd.f32 v4, v2  }
0x45: {  	v4 =	vld.idx.msk [tilespmem:v7+s8+$0x0], $0xffff  }
0x46: {  	v7 =	vadd.s32 $0x300, v10;
	v2 =	vadd.f32 v5, v2  }
0x47: {  	v5 =	vld.idx.msk [tilespmem:v8+s8+$0x0], $0xffff  }
0x48: {  	v1 =	vadd.s32 $0x320, v1;
	v2 =	vadd.f32 v3, v2  }
0x49: {  	v3 =	vld.idx.msk [tilespmem:v6+s8+$0x0], $0xffff  }
0x4a: {  	v2 =	vadd.f32 v4, v2  }
0x4b: {  	v4 =	vld.idx.msk [tilespmem:v7+s8+$0x0], $0xffff  }
0x4c: {  	s11 =	simm.s32 $0x10;
	v2 =	vadd.f32 v5, v2  }
0x4d: {  	v1 =	vld.idx.msk [tilespmem:v1+s8+$0x0], $0xffff;
	v5 =	vmov s11  }
0x4e: {  	v5 =	vshll.u32 v5, $0x7;
	v2 =	vadd.f32 v3, v2  }
0x4f: {  	v3 =	vor.u32 v0, v5  }
0x50: {  	v5 =	vor.u32 $0x1, v3;
	v2 =	vadd.f32 v4, v2;
	_ =	sdelay $0x1  }
0x51: {  	v1 =	vadd.f32 v1, v2  }
0x52: {  	v2 =	vor.u32 $0x2, v3  }
0x53: {  	[tilespmem:s9+$0x0] =	vst v1  }
0x54: {  	v1 =	vor.u32 $0x3, v3;
	v4 =	vld.idx.msk [tilespmem:v5+s2+$0x0], $0xffff  }
0x55: {  	v5 =	vld.idx.msk [tilespmem:v3+s2+$0x0], $0xffff  }
0x56: {  	v6 =	vor.u32 $0x4, v3  }
0x57: {  	v7 =	vor.u32 $0x5, v3;
	v2 =	vld.idx.msk [tilespmem:v2+s2+$0x0], $0xffff;
	_ =	sdelay $0x1  }
0x58: {  	v49 =	vor.u32 $0x6, v3;
	v1 =	vld.idx.msk [tilespmem:v1+s2+$0x0], $0xffff  }
0x59: {  	v4 =	vadd.s32 $0x20, v4  }
0x5a: {  	v50 =	vor.u32 $0x7, v3;
	v6 =	vld.idx.msk [tilespmem:v6+s2+$0x0], $0xffff  }
0x5b: {  	v7 =	vld.idx.msk [tilespmem:v7+s2+$0x0], $0xffff;
	v2 =	vadd.s32 $0x40, v2  }
0x5c: {  	v51 =	vor.u32 $0x8, v3;
	v5 =	vld.idx.msk [tilespmem:v5+s8+$0x0], $0xffff  }
0x5d: {  	v8 =	vld.idx.msk [tilespmem:v49+s2+$0x0], $0xffff;
	v1 =	vadd.s32 $0x60, v1  }
0x5e: {  	v52 =	vor.u32 $0x9, v3;
	v4 =	vld.idx.msk [tilespmem:v4+s8+$0x0], $0xffff  }
0x5f: {  	v9 =	vld.idx.msk [tilespmem:v50+s2+$0x0], $0xffff;
	v6 =	vadd.s32 $0x80, v6  }
0x60: {  	v53 =	vor.u32 $0xA, v3;
	v2 =	vld.idx.msk [tilespmem:v2+s8+$0x0], $0xffff  }
0x61: {  	v10 =	vld.idx.msk [tilespmem:v51+s2+$0x0], $0xffff;
	v7 =	vadd.s32 $0xA0, v7;
	v5 =	vadd.f32 $0.0e+00, v5  }
0x62: {  	v54 =	vor.u32 $0xB, v3;
	v1 =	vld.idx.msk [tilespmem:v1+s8+$0x0], $0xffff  }
0x63: {  	v11 =	vld.idx.msk [tilespmem:v52+s2+$0x0], $0xffff;
	v8 =	vadd.s32 $0xC0, v8;
	v4 =	vadd.f32 v4, v5  }
0x64: {  	v5 =	vld.idx.msk [tilespmem:v6+s8+$0x0], $0xffff;
	v6 =	vor.u32 $0xC, v3  }
0x65: {  	v12 =	vld.idx.msk [tilespmem:v53+s2+$0x0], $0xffff;
	v9 =	vadd.s32 $0xE0, v9;
	v2 =	vadd.f32 v2, v4  }
0x66: {  	v4 =	vld.idx.msk [tilespmem:v7+s8+$0x0], $0xffff;
	v7 =	vor.u32 $0xD, v3  }
0x67: {  	v13 =	vld.idx.msk [tilespmem:v54+s2+$0x0], $0xffff;
	v10 =	vadd.s32 $0x100, v10;
	v1 =	vadd.f32 v1, v2  }
0x68: {  	v55 =	vor.u32 $0xE, v3;
	v2 =	vld.idx.msk [tilespmem:v8+s8+$0x0], $0xffff  }
0x69: {  	v11 =	vadd.s32 $0x120, v11;
	v6 =	vld.idx.msk [tilespmem:v6+s2+$0x0], $0xffff;
	v1 =	vadd.f32 v5, v1  }
0x6a: {  	v56 =	vor.u32 $0xF, v3;
	v5 =	vld.idx.msk [tilespmem:v9+s8+$0x0], $0xffff  }
0x6b: {  	v12 =	vadd.s32 $0x140, v12;
	v7 =	vld.idx.msk [tilespmem:v7+s2+$0x0], $0xffff;
	v1 =	vadd.f32 v4, v1  }
0x6c: {  	v57 =	vor.u32 $0x10, v3;
	v4 =	vld.idx.msk [tilespmem:v10+s8+$0x0], $0xffff  }
0x6d: {  	v13 =	vadd.s32 $0x160, v13;
	v8 =	vld.idx.msk [tilespmem:v55+s2+$0x0], $0xffff;
	v1 =	vadd.f32 v2, v1  }
0x6e: {  	v58 =	vor.u32 $0x11, v3;
	v2 =	vld.idx.msk [tilespmem:v11+s8+$0x0], $0xffff  }
0x6f: {  	v9 =	vld.idx.msk [tilespmem:v56+s2+$0x0], $0xffff;
	v6 =	vadd.s32 $0x180, v6;
	v1 =	vadd.f32 v5, v1  }
0x70: {  	v59 =	vor.u32 $0x12, v3;
	v5 =	vld.idx.msk [tilespmem:v12+s8+$0x0], $0xffff  }
0x71: {  	v10 =	vld.idx.msk [tilespmem:v57+s2+$0x0], $0xffff;
	v7 =	vadd.s32 $0x1A0, v7;
	v1 =	vadd.f32 v4, v1  }
0x72: {  	v60 =	vor.u32 $0x13, v3;
	v4 =	vld.idx.msk [tilespmem:v13+s8+$0x0], $0xffff  }
0x73: {  	v8 =	vadd.s32 $0x1C0, v8;
	v11 =	vld.idx.msk [tilespmem:v58+s2+$0x0], $0xffff;
	v1 =	vadd.f32 v2, v1  }
0x74: {  	v2 =	vld.idx.msk [tilespmem:v6+s8+$0x0], $0xffff;
	v6 =	vor.u32 $0x14, v3  }
0x75: {  	v9 =	vadd.s32 $0x1E0, v9;
	v12 =	vld.idx.msk [tilespmem:v59+s2+$0x0], $0xffff;
	v1 =	vadd.f32 v5, v1  }
0x76: {  	v5 =	vld.idx.msk [tilespmem:v7+s8+$0x0], $0xffff;
	v7 =	vor.u32 $0x15, v3  }
0x77: {  	v10 =	vadd.s32 $0x200, v10;
	v13 =	vld.idx.msk [tilespmem:v60+s2+$0x0], $0xffff;
	v1 =	vadd.f32 v4, v1  }
0x78: {  	v61 =	vor.u32 $0x16, v3;
	v4 =	vld.idx.msk [tilespmem:v8+s8+$0x0], $0xffff  }
0x79: {  	v11 =	vadd.s32 $0x220, v11;
	v6 =	vld.idx.msk [tilespmem:v6+s2+$0x0], $0xffff;
	v1 =	vadd.f32 v2, v1  }
0x7a: {  	v62 =	vor.u32 $0x17, v3;
	v2 =	vld.idx.msk [tilespmem:v9+s8+$0x0], $0xffff  }
0x7b: {  	v12 =	vadd.s32 $0x240, v12;
	v7 =	vld.idx.msk [tilespmem:v7+s2+$0x0], $0xffff;
	v1 =	vadd.f32 v5, v1  }
0x7c: {  	v63 =	vor.u32 $0x18, v3;
	v5 =	vld.idx.msk [tilespmem:v10+s8+$0x0], $0xffff  }
0x7d: {  	v13 =	vadd.s32 $0x260, v13;
	v8 =	vld.idx.msk [tilespmem:v61+s2+$0x0], $0xffff;
	v1 =	vadd.f32 v4, v1  }
0x7e: {  	v3 =	vor.u32 $0x19, v3;
	v4 =	vld.idx.msk [tilespmem:v11+s8+$0x0], $0xffff  }
0x7f: {  	v9 =	vld.idx.msk [tilespmem:v62+s2+$0x0], $0xffff;
	v6 =	vadd.s32 $0x280, v6;
	v1 =	vadd.f32 v2, v1  }
0x80: {  	v2 =	vld.idx.msk [tilespmem:v12+s8+$0x0], $0xffff  }
0x81: {  	v10 =	vld.idx.msk [tilespmem:v63+s2+$0x0], $0xffff;
	v7 =	vadd.s32 $0x2A0, v7;
	v1 =	vadd.f32 v5, v1  }
0x82: {  	v5 =	vld.idx.msk [tilespmem:v13+s8+$0x0], $0xffff  }
0x83: {  	v3 =	vld.idx.msk [tilespmem:v3+s2+$0x0], $0xffff;
	v8 =	vadd.s32 $0x2C0, v8;
	v1 =	vadd.f32 v4, v1  }
0x84: {  	v4 =	vld.idx.msk [tilespmem:v6+s8+$0x0], $0xffff  }
0x85: {  	v1 =	vadd.f32 v2, v1;
	v2 =	vadd.s32 $0x2E0, v9  }
0x86: {  	v6 =	vld.idx.msk [tilespmem:v7+s8+$0x0], $0xffff  }
0x87: {  	v7 =	vadd.s32 $0x300, v10;
	v1 =	vadd.f32 v5, v1  }
0x88: {  	v5 =	vld.idx.msk [tilespmem:v8+s8+$0x0], $0xffff  }
0x89: {  	v3 =	vadd.s32 $0x320, v3;
	v4 =	vadd.f32 v4, v1  }
0x8a: {  	v1 =	vld.idx.msk [tilespmem:v2+s8+$0x0], $0xffff  }
0x8b: {  	v4 =	vadd.f32 v6, v4  }
0x8c: {  	v2 =	vld.idx.msk [tilespmem:v7+s8+$0x0], $0xffff  }
0x8d: {  	s31 =	simm.s32 $0x20;
	v4 =	vadd.f32 v5, v4  }
0x8e: {  	s12 =	simm.s32 $0x30;
	s11 =	simm.s32 $0x10380;
	v3 =	vld.idx.msk [tilespmem:v3+s8+$0x0], $0xffff;
	v5 =	vmov s31  }
.LBB2_2:
0x8f: {  	p0 =	sne.s32 s12, $0x1F0;
	v5 =	vshll.u32 v5, $0x7;
	v4 =	vadd.f32 v1, v4  }
0x90: {  	v1 =	vor.u32 v0, v5  }
0x91: {  	v5 =	vor.u32 $0x1, v1;
	v2 =	vadd.f32 v2, v4;
	_ =	sdelay $0x1  }
0x92: {  	v4 =	vor.u32 $0x2, v1;
	v2 =	vadd.f32 v3, v2  }
0x93: {  	s11 =	sadd.s32 $0x10, s11  }
0x94: {  	v3 =	vor.u32 $0x3, v1;
	[tilespmem:s11+$0x0] =	vst v2  }
0x95: {  	v2 =	vld.idx.msk [tilespmem:v5+s2+$0x0], $0xffff  }
0x96: {  	v6 =	vor.u32 $0x4, v1;
	v5 =	vld.idx.msk [tilespmem:v1+s2+$0x0], $0xffff  }
0x97: {  	v4 =	vld.idx.msk [tilespmem:v4+s2+$0x0], $0xffff  }
0x98: {  	v7 =	vor.u32 $0x5, v1  }
0x99: {  	v3 =	vld.idx.msk [tilespmem:v3+s2+$0x0], $0xffff  }
0x9a: {  	v8 =	vor.u32 $0x6, v1  }
0x9b: {  	v2 =	vadd.s32 $0x20, v2;
	v6 =	vld.idx.msk [tilespmem:v6+s2+$0x0], $0xffff  }
0x9c: {  	v9 =	vor.u32 $0x7, v1  }
0x9d: {  	v4 =	vadd.s32 $0x40, v4;
	v7 =	vld.idx.msk [tilespmem:v7+s2+$0x0], $0xffff  }
0x9e: {  	v10 =	vor.u32 $0x8, v1;
	v5 =	vld.idx.msk [tilespmem:v5+s8+$0x0], $0xffff  }
0x9f: {  	v3 =	vadd.s32 $0x60, v3;
	v8 =	vld.idx.msk [tilespmem:v8+s2+$0x0], $0xffff  }
0xa0: {  	v11 =	vor.u32 $0x9, v1;
	v2 =	vld.idx.msk [tilespmem:v2+s8+$0x0], $0xffff  }
0xa1: {  	v6 =	vadd.s32 $0x80, v6;
	v9 =	vld.idx.msk [tilespmem:v9+s2+$0x0], $0xffff  }
0xa2: {  	v12 =	vor.u32 $0xA, v1;
	v4 =	vld.idx.msk [tilespmem:v4+s8+$0x0], $0xffff  }
0xa3: {  	v7 =	vadd.s32 $0xA0, v7;
	v10 =	vld.idx.msk [tilespmem:v10+s2+$0x0], $0xffff  }
0xa4: {  	v13 =	vor.u32 $0xB, v1;
	v5 =	vadd.f32 $0.0e+00, v5;
	v3 =	vld.idx.msk [tilespmem:v3+s8+$0x0], $0xffff  }
0xa5: {  	v8 =	vadd.s32 $0xC0, v8;
	v11 =	vld.idx.msk [tilespmem:v11+s2+$0x0], $0xffff  }
0xa6: {  	v2 =	vadd.f32 v2, v5;
	v5 =	vld.idx.msk [tilespmem:v6+s8+$0x0], $0xffff;
	v6 =	vor.u32 $0xC, v1  }
0xa7: {  	v9 =	vadd.s32 $0xE0, v9;
	v12 =	vld.idx.msk [tilespmem:v12+s2+$0x0], $0xffff  }
0xa8: {  	v2 =	vadd.f32 v4, v2;
	v4 =	vld.idx.msk [tilespmem:v7+s8+$0x0], $0xffff;
	v7 =	vor.u32 $0xD, v1  }
0xa9: {  	v10 =	vadd.s32 $0x100, v10;
	v13 =	vld.idx.msk [tilespmem:v13+s2+$0x0], $0xffff  }
0xaa: {  	v2 =	vadd.f32 v3, v2;
	v3 =	vld.idx.msk [tilespmem:v8+s8+$0x0], $0xffff;
	v8 =	vor.u32 $0xE, v1  }
0xab: {  	v11 =	vadd.s32 $0x120, v11;
	v6 =	vld.idx.msk [tilespmem:v6+s2+$0x0], $0xffff  }
0xac: {  	v2 =	vadd.f32 v5, v2;
	v5 =	vld.idx.msk [tilespmem:v9+s8+$0x0], $0xffff;
	v9 =	vor.u32 $0xF, v1  }
0xad: {  	v12 =	vadd.s32 $0x140, v12;
	v7 =	vld.idx.msk [tilespmem:v7+s2+$0x0], $0xffff  }
0xae: {  	v2 =	vadd.f32 v4, v2;
	v4 =	vld.idx.msk [tilespmem:v10+s8+$0x0], $0xffff;
	v10 =	vor.u32 $0x10, v1  }
0xaf: {  	v13 =	vadd.s32 $0x160, v13;
	v8 =	vld.idx.msk [tilespmem:v8+s2+$0x0], $0xffff  }
0xb0: {  	v2 =	vadd.f32 v3, v2;
	v3 =	vld.idx.msk [tilespmem:v11+s8+$0x0], $0xffff;
	v11 =	vor.u32 $0x11, v1  }
0xb1: {  	v6 =	vadd.s32 $0x180, v6;
	v9 =	vld.idx.msk [tilespmem:v9+s2+$0x0], $0xffff  }
0xb2: {  	v2 =	vadd.f32 v5, v2;
	v5 =	vld.idx.msk [tilespmem:v12+s8+$0x0], $0xffff;
	v12 =	vor.u32 $0x12, v1  }
0xb3: {  	v7 =	vadd.s32 $0x1A0, v7;
	v10 =	vld.idx.msk [tilespmem:v10+s2+$0x0], $0xffff  }
0xb4: {  	v2 =	vadd.f32 v4, v2;
	v4 =	vld.idx.msk [tilespmem:v13+s8+$0x0], $0xffff;
	v13 =	vor.u32 $0x13, v1  }
0xb5: {  	v8 =	vadd.s32 $0x1C0, v8;
	v11 =	vld.idx.msk [tilespmem:v11+s2+$0x0], $0xffff  }
0xb6: {  	v2 =	vadd.f32 v3, v2;
	v3 =	vld.idx.msk [tilespmem:v6+s8+$0x0], $0xffff;
	v6 =	vor.u32 $0x14, v1  }
0xb7: {  	v9 =	vadd.s32 $0x1E0, v9;
	v12 =	vld.idx.msk [tilespmem:v12+s2+$0x0], $0xffff  }
0xb8: {  	v2 =	vadd.f32 v5, v2;
	v5 =	vld.idx.msk [tilespmem:v7+s8+$0x0], $0xffff;
	v7 =	vor.u32 $0x15, v1  }
0xb9: {  	v10 =	vadd.s32 $0x200, v10;
	v13 =	vld.idx.msk [tilespmem:v13+s2+$0x0], $0xffff  }
0xba: {  	v2 =	vadd.f32 v4, v2;
	v4 =	vld.idx.msk [tilespmem:v8+s8+$0x0], $0xffff;
	v8 =	vor.u32 $0x16, v1  }
0xbb: {  	v11 =	vadd.s32 $0x220, v11;
	v6 =	vld.idx.msk [tilespmem:v6+s2+$0x0], $0xffff  }
0xbc: {  	v2 =	vadd.f32 v3, v2;
	v3 =	vld.idx.msk [tilespmem:v9+s8+$0x0], $0xffff;
	v9 =	vor.u32 $0x17, v1  }
0xbd: {  	v12 =	vadd.s32 $0x240, v12;
	v7 =	vld.idx.msk [tilespmem:v7+s2+$0x0], $0xffff  }
0xbe: {  	v2 =	vadd.f32 v5, v2;
	v5 =	vld.idx.msk [tilespmem:v10+s8+$0x0], $0xffff;
	v10 =	vor.u32 $0x18, v1  }
0xbf: {  	v13 =	vadd.s32 $0x260, v13;
	v8 =	vld.idx.msk [tilespmem:v8+s2+$0x0], $0xffff  }
0xc0: {  	v1 =	vor.u32 $0x19, v1;
	v2 =	vadd.f32 v4, v2;
	v4 =	vld.idx.msk [tilespmem:v11+s8+$0x0], $0xffff  }
0xc1: {  	v6 =	vadd.s32 $0x280, v6;
	v9 =	vld.idx.msk [tilespmem:v9+s2+$0x0], $0xffff  }
0xc2: {  	v2 =	vadd.f32 v3, v2;
	v3 =	vld.idx.msk [tilespmem:v12+s8+$0x0], $0xffff  }
0xc3: {  	v7 =	vadd.s32 $0x2A0, v7;
	v10 =	vld.idx.msk [tilespmem:v10+s2+$0x0], $0xffff  }
0xc4: {  	v2 =	vadd.f32 v5, v2;
	v5 =	vld.idx.msk [tilespmem:v13+s8+$0x0], $0xffff  }
0xc5: {  	v8 =	vadd.s32 $0x2C0, v8;
	v1 =	vld.idx.msk [tilespmem:v1+s2+$0x0], $0xffff  }
0xc6: {  	v2 =	vadd.f32 v4, v2;
	v4 =	vld.idx.msk [tilespmem:v6+s8+$0x0], $0xffff  }
0xc7: {  	v6 =	vadd.s32 $0x2E0, v9  }
0xc8: {  	v2 =	vadd.f32 v3, v2;
	v3 =	vld.idx.msk [tilespmem:v7+s8+$0x0], $0xffff  }
0xc9: {  	v7 =	vadd.s32 $0x300, v10  }
0xca: {  	v2 =	vadd.f32 v5, v2;
	v5 =	vld.idx.msk [tilespmem:v8+s8+$0x0], $0xffff  }
0xcb: {  	v8 =	vadd.s32 $0x320, v1  }
0xcc: {  	v2 =	vadd.f32 v4, v2;
	v1 =	vld.idx.msk [tilespmem:v6+s8+$0x0], $0xffff  }
.Ltmp0:
0xcd: {  	(pc) =	sbr.rel @p0 .LBB2_2-.Ltmp0, $3  }
0xce: {  	v3 =	vadd.f32 v3, v2;
	v2 =	vld.idx.msk [tilespmem:v7+s8+$0x0], $0xffff;
	_ =	sdelay $0x1  }
0xcf: {  	v4 =	vadd.f32 v5, v3;
	v3 =	vld.idx.msk [tilespmem:v8+s8+$0x0], $0xffff  }
0xd0: {  	v5 =	vmov s12;
	s12 =	sadd.s32 $0x10, s12  }
0xd1: {  	v5 =	vshll.u32 v5, $0x7;
	v1 =	vadd.f32 v1, v4  }
0xd2: {  	v40 =	vor.u32 v0, v5  }
0xd3: {  	v5 =	vor.u32 $0x1, v40;
	v1 =	vadd.f32 v2, v1;
	_ =	sdelay $0x1  }
0xd4: {  	v1 =	vadd.f32 v3, v1  }
0xd5: {  	s11 =	sadd.s32 $0x10, s11;
	v2 =	vor.u32 $0x2, v40  }
0xd6: {  	[tilespmem:s11+$0x0] =	vst v1  }
0xd7: {  	v1 =	vor.u32 $0x3, v40;
	v3 =	vld.idx.msk [tilespmem:v5+s2+$0x0], $0xffff  }
0xd8: {  	v41 =	vld.idx.msk [tilespmem:v40+s2+$0x0], $0xffff  }
0xd9: {  	v6 =	vor.u32 $0x4, v40  }
0xda: {  	v7 =	vor.u32 $0x5, v40;
	v2 =	vld.idx.msk [tilespmem:v2+s2+$0x0], $0xffff;
	_ =	sdelay $0x1  }
0xdb: {  	v8 =	vor.u32 $0x6, v40;
	v1 =	vld.idx.msk [tilespmem:v1+s2+$0x0], $0xffff  }
0xdc: {  	v3 =	vadd.s32 $0x20, v3  }
0xdd: {  	v9 =	vor.u32 $0x7, v40;
	v6 =	vld.idx.msk [tilespmem:v6+s2+$0x0], $0xffff  }
0xde: {  	v7 =	vld.idx.msk [tilespmem:v7+s2+$0x0], $0xffff;
	v2 =	vadd.s32 $0x40, v2  }
0xdf: {  	v10 =	vor.u32 $0x8, v40;
	v5 =	vld.idx.msk [tilespmem:v41+s8+$0x0], $0xffff  }
0xe0: {  	v8 =	vld.idx.msk [tilespmem:v8+s2+$0x0], $0xffff;
	v1 =	vadd.s32 $0x60, v1  }
0xe1: {  	v11 =	vor.u32 $0x9, v40;
	v3 =	vld.idx.msk [tilespmem:v3+s8+$0x0], $0xffff  }
0xe2: {  	v9 =	vld.idx.msk [tilespmem:v9+s2+$0x0], $0xffff;
	v6 =	vadd.s32 $0x80, v6  }
0xe3: {  	v12 =	vor.u32 $0xA, v40;
	v2 =	vld.idx.msk [tilespmem:v2+s8+$0x0], $0xffff  }
0xe4: {  	v10 =	vld.idx.msk [tilespmem:v10+s2+$0x0], $0xffff;
	v7 =	vadd.s32 $0xA0, v7;
	v5 =	vadd.f32 $0.0e+00, v5  }
0xe5: {  	v13 =	vor.u32 $0xB, v40;
	v1 =	vld.idx.msk [tilespmem:v1+s8+$0x0], $0xffff  }
0xe6: {  	v11 =	vld.idx.msk [tilespmem:v11+s2+$0x0], $0xffff;
	v8 =	vadd.s32 $0xC0, v8;
	v3 =	vadd.f32 v3, v5  }
0xe7: {  	v43 =	vor.u32 $0xC, v40;
	v42 =	vld.idx.msk [tilespmem:v6+s8+$0x0], $0xffff  }
0xe8: {  	v12 =	vld.idx.msk [tilespmem:v12+s2+$0x0], $0xffff;
	v9 =	vadd.s32 $0xE0, v9;
	v2 =	vadd.f32 v2, v3  }
0xe9: {  	v44 =	vor.u32 $0xD, v40;
	v3 =	vld.idx.msk [tilespmem:v7+s8+$0x0], $0xffff  }
0xea: {  	v13 =	vld.idx.msk [tilespmem:v13+s2+$0x0], $0xffff;
	v10 =	vadd.s32 $0x100, v10;
	v1 =	vadd.f32 v1, v2  }
0xeb: {  	v45 =	vor.u32 $0xE, v40;
	v2 =	vld.idx.msk [tilespmem:v8+s8+$0x0], $0xffff  }
0xec: {  	v11 =	vadd.s32 $0x120, v11;
	v6 =	vld.idx.msk [tilespmem:v43+s2+$0x0], $0xffff;
	v1 =	vadd.f32 v42, v1  }
0xed: {  	v47 =	vor.u32 $0xF, v40;
	v46 =	vld.idx.msk [tilespmem:v9+s8+$0x0], $0xffff  }
0xee: {  	v12 =	vadd.s32 $0x140, v12;
	v7 =	vld.idx.msk [tilespmem:v44+s2+$0x0], $0xffff;
	v1 =	vadd.f32 v3, v1  }
0xef: {  	v48 =	vor.u32 $0x10, v40;
	v3 =	vld.idx.msk [tilespmem:v10+s8+$0x0], $0xffff  }
0xf0: {  	v13 =	vadd.s32 $0x160, v13;
	v8 =	vld.idx.msk [tilespmem:v45+s2+$0x0], $0xffff;
	v1 =	vadd.f32 v2, v1  }
0xf1: {  	v49 =	vor.u32 $0x11, v40;
	v2 =	vld.idx.msk [tilespmem:v11+s8+$0x0], $0xffff  }
0xf2: {  	v9 =	vld.idx.msk [tilespmem:v47+s2+$0x0], $0xffff;
	v6 =	vadd.s32 $0x180, v6;
	v1 =	vadd.f32 v46, v1  }
0xf3: {  	v51 =	vor.u32 $0x12, v40;
	v50 =	vld.idx.msk [tilespmem:v12+s8+$0x0], $0xffff  }
0xf4: {  	v7 =	vadd.s32 $0x1A0, v7;
	v10 =	vld.idx.msk [tilespmem:v48+s2+$0x0], $0xffff;
	v1 =	vadd.f32 v3, v1  }
0xf5: {  	v52 =	vor.u32 $0x13, v40;
	v3 =	vld.idx.msk [tilespmem:v13+s8+$0x0], $0xffff  }
0xf6: {  	v8 =	vadd.s32 $0x1C0, v8;
	v11 =	vld.idx.msk [tilespmem:v49+s2+$0x0], $0xffff;
	v1 =	vadd.f32 v2, v1  }
0xf7: {  	v53 =	vor.u32 $0x14, v40;
	v2 =	vld.idx.msk [tilespmem:v6+s8+$0x0], $0xffff  }
0xf8: {  	v12 =	vld.idx.msk [tilespmem:v51+s2+$0x0], $0xffff;
	v9 =	vadd.s32 $0x1E0, v9;
	v1 =	vadd.f32 v50, v1  }
0xf9: {  	v55 =	vor.u32 $0x15, v40;
	v54 =	vld.idx.msk [tilespmem:v7+s8+$0x0], $0xffff  }
0xfa: {  	v10 =	vadd.s32 $0x200, v10;
	v13 =	vld.idx.msk [tilespmem:v52+s2+$0x0], $0xffff;
	v1 =	vadd.f32 v3, v1  }
0xfb: {  	v56 =	vor.u32 $0x16, v40;
	v3 =	vld.idx.msk [tilespmem:v8+s8+$0x0], $0xffff  }
0xfc: {  	v11 =	vadd.s32 $0x220, v11;
	v6 =	vld.idx.msk [tilespmem:v53+s2+$0x0], $0xffff;
	v1 =	vadd.f32 v2, v1  }
0xfd: {  	v57 =	vor.u32 $0x17, v40;
	v2 =	vld.idx.msk [tilespmem:v9+s8+$0x0], $0xffff  }
0xfe: {  	v12 =	vadd.s32 $0x240, v12;
	v7 =	vld.idx.msk [tilespmem:v55+s2+$0x0], $0xffff;
	v1 =	vadd.f32 v54, v1  }
0xff: {  	v59 =	vor.u32 $0x18, v40;
	v58 =	vld.idx.msk [tilespmem:v10+s8+$0x0], $0xffff  }
0x100: {  	v13 =	vadd.s32 $0x260, v13;
	v8 =	vld.idx.msk [tilespmem:v56+s2+$0x0], $0xffff;
	v1 =	vadd.f32 v3, v1  }
0x101: {  	v4 =	vor.u32 $0x19, v40;
	v3 =	vld.idx.msk [tilespmem:v11+s8+$0x0], $0xffff  }
0x102: {  	v6 =	vadd.s32 $0x280, v6;
	v9 =	vld.idx.msk [tilespmem:v57+s2+$0x0], $0xffff;
	v1 =	vadd.f32 v2, v1  }
0x103: {  	v2 =	vld.idx.msk [tilespmem:v12+s8+$0x0], $0xffff  }
0x104: {  	v7 =	vadd.s32 $0x2A0, v7;
	v10 =	vld.idx.msk [tilespmem:v59+s2+$0x0], $0xffff;
	v1 =	vadd.f32 v58, v1  }
0x105: {  	v60 =	vld.idx.msk [tilespmem:v13+s8+$0x0], $0xffff  }
0x106: {  	v4 =	vld.idx.msk [tilespmem:v4+s2+$0x0], $0xffff;
	v8 =	vadd.s32 $0x2C0, v8;
	v1 =	vadd.f32 v3, v1  }
0x107: {  	v3 =	vld.idx.msk [tilespmem:v6+s8+$0x0], $0xffff  }
0x108: {  	v61 =	vadd.s32 $0x2E0, v9;
	v1 =	vadd.f32 v2, v1  }
0x109: {  	v2 =	vld.idx.msk [tilespmem:v7+s8+$0x0], $0xffff  }
0x10a: {  	v62 =	vadd.s32 $0x300, v10;
	v1 =	vadd.f32 v60, v1  }
0x10b: {  	v63 =	vld.idx.msk [tilespmem:v8+s8+$0x0], $0xffff  }
0x10c: {  	v4 =	vadd.s32 $0x320, v4;
	v1 =	vadd.f32 v3, v1  }
0x10d: {  	v3 =	vld.idx.msk [tilespmem:v61+s8+$0x0], $0xffff  }
0x10e: {  	v1 =	vadd.f32 v2, v1  }
0x10f: {  	v2 =	vld.idx.msk [tilespmem:v62+s8+$0x0], $0xffff  }
0x110: {  	v1 =	vadd.f32 v63, v1  }
0x111: {  	v4 =	vld.idx.msk [tilespmem:v4+s8+$0x0], $0xffff  }
0x112: {  	v1 =	vadd.f32 v3, v1;
	_ =	sdelay $0x1  }
0x113: {  	v1 =	vadd.f32 v2, v1;
	_ =	sdelay $0x1  }
0x114: {  	s10 =	sadd.s32 $0x1, s10;
	v1 =	vadd.f32 v4, v1  }
0x115: {  	p0 =	sne.s32 s10, s6;
	s11 =	sadd.s32 $0x10, s11  }
.Ltmp1:
0x116: {  	[tilespmem:s11+$0x0] =	vst v1;
	(pc) =	sbr.rel @p0 .LBB2_1-.Ltmp1, $4  }
0x117: {  	[hbm4b:s5+s2] =	stream.linear.scatter [tilespmem:s9], [sflag:$0x1], $0x200, $0x38;
	[tilespmem:$0x10580] =	vst v63  }
0x118: {  	_ =	swait.ge [sflag:s7], $0x200  }
0x119: {  	[sflag:s7] =	ssyncset.done $0x0  }
0x11a: {  	[sflag:s7] =	ssyncadd.s32 $0xFFFFFE00  }
0x11b: {  	_ =	sfence.sel $0x180000  }
0x11c: {  	[bflag:$0x0] =	sbarrier.arrive $0xFFFF  }
0x11d: {  	p0 =	sne.s32 s1, $0x0;
	_ =	strace $0x90000047  }
0x11e: {  	s0 =	sadd.s32 @!p0 $0x100000, s0;
	[bflag:$0x2] =	sbarrier.arrive $0xFFFF  }
0x11f: {  	[sflag:s0] =	ssyncadd.tile.s32 @!p0 $0x1;
	_ =	shalt  }
.Lfunc_end2:
_tile_overlayer_lowered:
.L_overlay_start_2:
0x120: {  	(tag) =	ssettag $0x2  }
0x121: {  	s0 =	rddreg [dreg:$0x0];
	s2 =	stileid.u32  }
0x122: {  	s1 =	rddreg [dreg:$0x1];
	p0 =	sne.s32 s2, $0x0  }
0x123: {  	s3 =	rddreg [dreg:$0x2];
	[bflag:$0x3] =	sbarrier.arrive $0xFFFF;
	s2 =	simm.s32 @!p0 $0x1C01  }
0x124: {  	[timem:s3], [sflag:s2] =	dma.local @!p0 [hbm:s0], s1  }
0x125: {  	s0 =	simm.s32 @!p0 $0x1  }
0x126: {  	_ =	swait.ge @!p0 [sflag:s0], s1  }
0x127: {  	s1 =	ssub.s32 @!p0 $0x0, s1;
	[sflag:s0] =	ssyncset.done @!p0 $0x0  }
0x128: {  	[sflag:s0] =	ssyncadd.s32 @!p0 s1  }
0x129: {  	[bflag:$0x3] =	sbarrier.arrive $0xFFFF  }
0x12a: {  	_ =	shalt  }

</sc_bundles>
